<compile_context>
chip_gen: v7x
topology: tpu7x:2x2x1
jax: 0.10.2.dev20260603
libtpu: 0.0.44.dev20260713+nightly
codegen_flags: <defaults>
</compile_context>

<pallas_src>
import functools
import jax
import jax.numpy as jnp
from jax import lax
from jax.experimental import pallas as pl
from jax.experimental.pallas import tpu as pltpu
from jax.experimental.pallas import tpu_sc as plsc

H_UNITS_ = 32
SCALE_ = float(H_UNITS_ ** 0.5)

_NC = 2
_NS = 16
_NW = _NC * _NS
_LANES = 16

_SUB = 128
_NSUB_MACRO = 8
_MACRO = _SUB * _NSUB_MACRO


def _make_gather(n_rows_total: int, d: int):
    n_sub_total = n_rows_total // _SUB
    sub_per_w = n_sub_total // _NW
    n_macro = sub_per_w // _NSUB_MACRO

    mesh = plsc.VectorSubcoreMesh(core_axis_name="c", subcore_axis_name="s")

    @functools.partial(
        pl.kernel,
        mesh=mesh,
        compiler_params=pltpu.CompilerParams(use_tc_tiling_on_sc=False),
        out_type=jax.ShapeDtypeStruct((n_sub_total, _SUB, d), jnp.float32),
        scratch_types=[
            pltpu.VMEM((sub_per_w, _SUB), jnp.int32),
            pltpu.VMEM((_NSUB_MACRO, _SUB, d), jnp.float32),
            pltpu.SemaphoreType.DMA,
        ],
    )
    def k(table_hbm, idx_hbm, out_hbm, idx_v, rows_v, sem):
        wid = lax.axis_index("s") * _NC + lax.axis_index("c")
        sub_base = wid * sub_per_w
        pltpu.sync_copy(idx_hbm.at[pl.ds(sub_base, sub_per_w)], idx_v)

        def macro_body(m, carry):
            copies = []
            for j in range(_NSUB_MACRO):
                copies.append(
                    pltpu.async_copy(
                        table_hbm.at[idx_v.at[m * _NSUB_MACRO + j]],
                        rows_v.at[j],
                        sem,
                    )
                )
            for c in copies:
                c.wait()

            def scale_body(r, carry2):
                j = r // _SUB
                t = r % _SUB
                for h in range(d // _LANES):
                    sl = pl.ds(h * _LANES, _LANES)
                    rows_v[j, t, sl] = rows_v[j, t, sl] * SCALE_
                return carry2

            lax.fori_loop(0, _MACRO, scale_body, 0, unroll=2)

            pltpu.sync_copy(
                rows_v,
                out_hbm.at[pl.ds(sub_base + m * _NSUB_MACRO, _NSUB_MACRO)],
            )
            return carry

        lax.fori_loop(0, n_macro, macro_body, 0)

    return k


def kernel(inputs, lookup_table):
    b0, b1 = inputs.shape
    n = b0 * b1
    d = lookup_table.shape[1]
    idx = inputs.reshape(n // _SUB, _SUB).astype(jnp.int32)
    out = _make_gather(n, d)(lookup_table, idx)
    return out.reshape(b0, b1, d)

# --- scband reference (transcript-rebuilt; emitter-appended) ---
"""Pipeline reference for scband-embedding-25374666785425 (READ-ONLY COPY).

The authoritative reference and input builder live on the scoring server;
editing this copy changes nothing except your own understanding.
"""

import jax, jax.numpy as jnp
import numpy as np

VOCAB_SIZE = 1000000
H_UNITS = 32


def setup_inputs(seed: int = 0) -> dict:
    key = jax.random.key(seed)
    k_idx, k_tab = jax.random.split(key)
    inputs = jax.random.randint(k_idx, (16384, 26), 0, VOCAB_SIZE, dtype=jnp.int64 if jax.config.jax_enable_x64 else jnp.int32)
    lookup_table = jax.random.normal(k_tab, (VOCAB_SIZE, H_UNITS), dtype=jnp.float32)
    return {"inputs": inputs, "lookup_table": lookup_table}


def reference(inputs, lookup_table):
    # F.embedding(inputs, lookup_table, padding_idx=0):
    # forward is a plain gather; padding_idx only affects gradients.
    output = jnp.take(lookup_table, inputs, axis=0)
    # scale=True -> multiply by sqrt(h_units)
    output = output * (H_UNITS ** 0.5)
    return output

if __name__ == "__main__":
    import jax
    _d = setup_inputs()
    print(jax.jit(kernel)(*tuple(_d.values())))

</pallas_src>

<mosaic_0001>
#map = affine_map<(d0, d1) -> (0, 0)>
#map1 = affine_map<(d0, d1) -> (0, 0, 0)>
module attributes {stable_mosaic.version = 14 : i64} {
  func.func @k(%arg0: i32, %arg1: i32, %arg2: memref<1000000x32xf32, #tpu.memory_space<hbm>>, %arg3: memref<3328x128xi32, #tpu.memory_space<hbm>>, %arg4: memref<3328x128x32xf32, #tpu.memory_space<hbm>>, %arg5: memref<104x128xi32, #tpu.memory_space<vmem>>, %arg6: memref<8x128x32xf32, #tpu.memory_space<vmem>>, %arg7: memref<!tpu.dma_semaphore, #tpu.memory_space<semaphore_mem>>) attributes {dimension_semantics = [#tpu.dimension_semantics<core_parallel>, #tpu.dimension_semantics<subcore_parallel>], iteration_bounds = array<i64: 2, 16>, scalar_prefetch = 0 : i64, scratch_operands = 3 : i64, tpu.core_type = #tpu.core_type<sc_vector_subcore>, window_params = [{transform_indices = #map}, {transform_indices = #map}, {transform_indices = #map1}]} {
    %mul3A = arith.constant 2 : i32
    %mul3A_0 = arith.muli %arg1, %mul3A : i32
    %add3A = arith.addi %mul3A_0, %arg0 : i32
    %mul3A_1 = arith.constant 104 : i32
    %mul3A_2 = arith.muli %add3A, %mul3A_1 : i32
    "tpu.region"() ({
      %run_scoped3A = tpu.sem_alloc : memref<!tpu.dma_semaphore, #tpu.memory_space<semaphore_mem>>
      %dma_start3A = arith.constant 0 : i32
      %dma_start3A_8 = tpu.memref_slice %arg3[%mul3A_2, %dma_start3A] : memref<3328x128xi32, #tpu.memory_space<hbm>> -> memref<104x128xi32, #tpu.memory_space<hbm>>
      %dma_start3A_9 = arith.constant 0 : i32
      %dma_start3A_10 = tpu.memref_slice %arg3[%mul3A_2, %dma_start3A_9] : memref<3328x128xi32, #tpu.memory_space<hbm>> -> memref<104x128xi32, #tpu.memory_space<hbm>>
      tpu.enqueue_dma source(%dma_start3A_10 : memref<104x128xi32, #tpu.memory_space<hbm>>) target(%arg5 : memref<104x128xi32, #tpu.memory_space<vmem>>) target_semaphore(%run_scoped3A : memref<!tpu.dma_semaphore, #tpu.memory_space<semaphore_mem>>)
      %dma_wait3A = arith.constant 0 : i32
      %dma_wait3A_11 = tpu.memref_slice %arg3[%mul3A_2, %dma_wait3A] : memref<3328x128xi32, #tpu.memory_space<hbm>> -> memref<104x128xi32, #tpu.memory_space<hbm>>
      %dma_wait3A_12 = arith.constant 0 : i32
      %dma_wait3A_13 = tpu.memref_slice %arg3[%mul3A_2, %dma_wait3A_12] : memref<3328x128xi32, #tpu.memory_space<hbm>> -> memref<104x128xi32, #tpu.memory_space<hbm>>
      tpu.wait_dma2 semaphore(%run_scoped3A : memref<!tpu.dma_semaphore, #tpu.memory_space<semaphore_mem>>) src(%dma_wait3A_13 : memref<104x128xi32, #tpu.memory_space<hbm>>) dst(%arg5 : memref<104x128xi32, #tpu.memory_space<vmem>>)
      tpu.yield
    }) : () -> ()
    %scan3A = arith.constant 0 : i32
    %scan3A_3 = arith.constant 0 : i32
    %scan3A_4 = arith.constant 13 : i32
    %scan3A_5 = arith.addi %scan3A_3, %scan3A_4 : i32
    %scan3A_6 = arith.constant 1 : i32
    scf.for %scan3A_8 = %scan3A_3 to %scan3A_5 step %scan3A_6  : i32 {
      %mul3A_9 = arith.constant 8 : i32
      %mul3A_10 = arith.muli %scan3A_8, %mul3A_9 : i32
      %add3A_11 = arith.constant 0 : i32
      %add3A_12 = arith.addi %mul3A_10, %add3A_11 : i32
      %dma_start3A = arith.constant 0 : i32
      %dma_start3A_13 = arith.constant 0 : i32
      %dma_start3A_14 = arith.constant 0 : i32
      %dma_start3A_15 = tpu.memref_slice %arg6[%dma_start3A, %dma_start3A_13, %dma_start3A_14] : memref<8x128x32xf32, #tpu.memory_space<vmem>> -> memref<1x128x32xf32, #tpu.memory_space<vmem>>
      %dma_start3A_16 = tpu.memref_squeeze %dma_start3A_15 : memref<1x128x32xf32, #tpu.memory_space<vmem>> -> memref<128x32xf32, #tpu.memory_space<vmem>>
      %dma_start3A_17 = arith.constant 0 : i32
      %dma_start3A_18 = tpu.memref_slice %arg5[%add3A_12, %dma_start3A_17] : memref<104x128xi32, #tpu.memory_space<vmem>> -> memref<1x128xi32, #tpu.memory_space<vmem>>
      %dma_start3A_19 = tpu.memref_squeeze %dma_start3A_18 : memref<1x128xi32, #tpu.memory_space<vmem>> -> memref<128xi32, #tpu.memory_space<vmem>>
      %dma_start3A_20 = arith.constant 0 : i32
      %dma_start3A_21 = arith.constant 0 : i32
      %dma_start3A_22 = tpu.memref_slice %arg2[%dma_start3A_20, %dma_start3A_21] : memref<1000000x32xf32, #tpu.memory_space<hbm>> -> memref<1000000x32xf32, #tpu.memory_space<hbm>>
      tpu.enqueue_indirect_dma source(%dma_start3A_22 : memref<1000000x32xf32, #tpu.memory_space<hbm>>) target(%dma_start3A_16 : memref<128x32xf32, #tpu.memory_space<vmem>>) offsets(%dma_start3A_19 : memref<128xi32, #tpu.memory_space<vmem>>) semaphore(%arg7 : memref<!tpu.dma_semaphore, #tpu.memory_space<semaphore_mem>>)
      %mul3A_23 = arith.constant 8 : i32
      %mul3A_24 = arith.muli %scan3A_8, %mul3A_23 : i32
      %add3A_25 = arith.constant 1 : i32
      %add3A_26 = arith.addi %mul3A_24, %add3A_25 : i32
      %dma_start3A_27 = arith.constant 1 : i32
      %dma_start3A_28 = arith.constant 0 : i32
      %dma_start3A_29 = arith.constant 0 : i32
      %dma_start3A_30 = tpu.memref_slice %arg6[%dma_start3A_27, %dma_start3A_28, %dma_start3A_29] : memref<8x128x32xf32, #tpu.memory_space<vmem>> -> memref<1x128x32xf32, #tpu.memory_space<vmem>>
      %dma_start3A_31 = tpu.memref_squeeze %dma_start3A_30 : memref<1x128x32xf32, #tpu.memory_space<vmem>> -> memref<128x32xf32, #tpu.memory_space<vmem>>
      %dma_start3A_32 = arith.constant 0 : i32
      %dma_start3A_33 = tpu.memref_slice %arg5[%add3A_26, %dma_start3A_32] : memref<104x128xi32, #tpu.memory_space<vmem>> -> memref<1x128xi32, #tpu.memory_space<vmem>>
      %dma_start3A_34 = tpu.memref_squeeze %dma_start3A_33 : memref<1x128xi32, #tpu.memory_space<vmem>> -> memref<128xi32, #tpu.memory_space<vmem>>
      %dma_start3A_35 = arith.constant 0 : i32
      %dma_start3A_36 = arith.constant 0 : i32
      %dma_start3A_37 = tpu.memref_slice %arg2[%dma_start3A_35, %dma_start3A_36] : memref<1000000x32xf32, #tpu.memory_space<hbm>> -> memref<1000000x32xf32, #tpu.memory_space<hbm>>
      tpu.enqueue_indirect_dma source(%dma_start3A_37 : memref<1000000x32xf32, #tpu.memory_space<hbm>>) target(%dma_start3A_31 : memref<128x32xf32, #tpu.memory_space<vmem>>) offsets(%dma_start3A_34 : memref<128xi32, #tpu.memory_space<vmem>>) semaphore(%arg7 : memref<!tpu.dma_semaphore, #tpu.memory_space<semaphore_mem>>)
      %mul3A_38 = arith.constant 8 : i32
      %mul3A_39 = arith.muli %scan3A_8, %mul3A_38 : i32
      %add3A_40 = arith.constant 2 : i32
      %add3A_41 = arith.addi %mul3A_39, %add3A_40 : i32
      %dma_start3A_42 = arith.constant 2 : i32
      %dma_start3A_43 = arith.constant 0 : i32
      %dma_start3A_44 = arith.constant 0 : i32
      %dma_start3A_45 = tpu.memref_slice %arg6[%dma_start3A_42, %dma_start3A_43, %dma_start3A_44] : memref<8x128x32xf32, #tpu.memory_space<vmem>> -> memref<1x128x32xf32, #tpu.memory_space<vmem>>
      %dma_start3A_46 = tpu.memref_squeeze %dma_start3A_45 : memref<1x128x32xf32, #tpu.memory_space<vmem>> -> memref<128x32xf32, #tpu.memory_space<vmem>>
      %dma_start3A_47 = arith.constant 0 : i32
      %dma_start3A_48 = tpu.memref_slice %arg5[%add3A_41, %dma_start3A_47] : memref<104x128xi32, #tpu.memory_space<vmem>> -> memref<1x128xi32, #tpu.memory_space<vmem>>
      %dma_start3A_49 = tpu.memref_squeeze %dma_start3A_48 : memref<1x128xi32, #tpu.memory_space<vmem>> -> memref<128xi32, #tpu.memory_space<vmem>>
      %dma_start3A_50 = arith.constant 0 : i32
      %dma_start3A_51 = arith.constant 0 : i32
      %dma_start3A_52 = tpu.memref_slice %arg2[%dma_start3A_50, %dma_start3A_51] : memref<1000000x32xf32, #tpu.memory_space<hbm>> -> memref<1000000x32xf32, #tpu.memory_space<hbm>>
      tpu.enqueue_indirect_dma source(%dma_start3A_52 : memref<1000000x32xf32, #tpu.memory_space<hbm>>) target(%dma_start3A_46 : memref<128x32xf32, #tpu.memory_space<vmem>>) offsets(%dma_start3A_49 : memref<128xi32, #tpu.memory_space<vmem>>) semaphore(%arg7 : memref<!tpu.dma_semaphore, #tpu.memory_space<semaphore_mem>>)
      %mul3A_53 = arith.constant 8 : i32
      %mul3A_54 = arith.muli %scan3A_8, %mul3A_53 : i32
      %add3A_55 = arith.constant 3 : i32
      %add3A_56 = arith.addi %mul3A_54, %add3A_55 : i32
      %dma_start3A_57 = arith.constant 3 : i32
      %dma_start3A_58 = arith.constant 0 : i32
      %dma_start3A_59 = arith.constant 0 : i32
      %dma_start3A_60 = tpu.memref_slice %arg6[%dma_start3A_57, %dma_start3A_58, %dma_start3A_59] : memref<8x128x32xf32, #tpu.memory_space<vmem>> -> memref<1x128x32xf32, #tpu.memory_space<vmem>>
      %dma_start3A_61 = tpu.memref_squeeze %dma_start3A_60 : memref<1x128x32xf32, #tpu.memory_space<vmem>> -> memref<128x32xf32, #tpu.memory_space<vmem>>
      %dma_start3A_62 = arith.constant 0 : i32
      %dma_start3A_63 = tpu.memref_slice %arg5[%add3A_56, %dma_start3A_62] : memref<104x128xi32, #tpu.memory_space<vmem>> -> memref<1x128xi32, #tpu.memory_space<vmem>>
      %dma_start3A_64 = tpu.memref_squeeze %dma_start3A_63 : memref<1x128xi32, #tpu.memory_space<vmem>> -> memref<128xi32, #tpu.memory_space<vmem>>
      %dma_start3A_65 = arith.constant 0 : i32
      %dma_start3A_66 = arith.constant 0 : i32
      %dma_start3A_67 = tpu.memref_slice %arg2[%dma_start3A_65, %dma_start3A_66] : memref<1000000x32xf32, #tpu.memory_space<hbm>> -> memref<1000000x32xf32, #tpu.memory_space<hbm>>
      tpu.enqueue_indirect_dma source(%dma_start3A_67 : memref<1000000x32xf32, #tpu.memory_space<hbm>>) target(%dma_start3A_61 : memref<128x32xf32, #tpu.memory_space<vmem>>) offsets(%dma_start3A_64 : memref<128xi32, #tpu.memory_space<vmem>>) semaphore(%arg7 : memref<!tpu.dma_semaphore, #tpu.memory_space<semaphore_mem>>)
      %mul3A_68 = arith.constant 8 : i32
      %mul3A_69 = arith.muli %scan3A_8, %mul3A_68 : i32
      %add3A_70 = arith.constant 4 : i32
      %add3A_71 = arith.addi %mul3A_69, %add3A_70 : i32
      %dma_start3A_72 = arith.constant 4 : i32
      %dma_start3A_73 = arith.constant 0 : i32
      %dma_start3A_74 = arith.constant 0 : i32
      %dma_start3A_75 = tpu.memref_slice %arg6[%dma_start3A_72, %dma_start3A_73, %dma_start3A_74] : memref<8x128x32xf32, #tpu.memory_space<vmem>> -> memref<1x128x32xf32, #tpu.memory_space<vmem>>
      %dma_start3A_76 = tpu.memref_squeeze %dma_start3A_75 : memref<1x128x32xf32, #tpu.memory_space<vmem>> -> memref<128x32xf32, #tpu.memory_space<vmem>>
      %dma_start3A_77 = arith.constant 0 : i32
      %dma_start3A_78 = tpu.memref_slice %arg5[%add3A_71, %dma_start3A_77] : memref<104x128xi32, #tpu.memory_space<vmem>> -> memref<1x128xi32, #tpu.memory_space<vmem>>
      %dma_start3A_79 = tpu.memref_squeeze %dma_start3A_78 : memref<1x128xi32, #tpu.memory_space<vmem>> -> memref<128xi32, #tpu.memory_space<vmem>>
      %dma_start3A_80 = arith.constant 0 : i32
      %dma_start3A_81 = arith.constant 0 : i32
      %dma_start3A_82 = tpu.memref_slice %arg2[%dma_start3A_80, %dma_start3A_81] : memref<1000000x32xf32, #tpu.memory_space<hbm>> -> memref<1000000x32xf32, #tpu.memory_space<hbm>>
      tpu.enqueue_indirect_dma source(%dma_start3A_82 : memref<1000000x32xf32, #tpu.memory_space<hbm>>) target(%dma_start3A_76 : memref<128x32xf32, #tpu.memory_space<vmem>>) offsets(%dma_start3A_79 : memref<128xi32, #tpu.memory_space<vmem>>) semaphore(%arg7 : memref<!tpu.dma_semaphore, #tpu.memory_space<semaphore_mem>>)
      %mul3A_83 = arith.constant 8 : i32
      %mul3A_84 = arith.muli %scan3A_8, %mul3A_83 : i32
      %add3A_85 = arith.constant 5 : i32
      %add3A_86 = arith.addi %mul3A_84, %add3A_85 : i32
      %dma_start3A_87 = arith.constant 5 : i32
      %dma_start3A_88 = arith.constant 0 : i32
      %dma_start3A_89 = arith.constant 0 : i32
      %dma_start3A_90 = tpu.memref_slice %arg6[%dma_start3A_87, %dma_start3A_88, %dma_start3A_89] : memref<8x128x32xf32, #tpu.memory_space<vmem>> -> memref<1x128x32xf32, #tpu.memory_space<vmem>>
      %dma_start3A_91 = tpu.memref_squeeze %dma_start3A_90 : memref<1x128x32xf32, #tpu.memory_space<vmem>> -> memref<128x32xf32, #tpu.memory_space<vmem>>
      %dma_start3A_92 = arith.constant 0 : i32
      %dma_start3A_93 = tpu.memref_slice %arg5[%add3A_86, %dma_start3A_92] : memref<104x128xi32, #tpu.memory_space<vmem>> -> memref<1x128xi32, #tpu.memory_space<vmem>>
      %dma_start3A_94 = tpu.memref_squeeze %dma_start3A_93 : memref<1x128xi32, #tpu.memory_space<vmem>> -> memref<128xi32, #tpu.memory_space<vmem>>
      %dma_start3A_95 = arith.constant 0 : i32
      %dma_start3A_96 = arith.constant 0 : i32
      %dma_start3A_97 = tpu.memref_slice %arg2[%dma_start3A_95, %dma_start3A_96] : memref<1000000x32xf32, #tpu.memory_space<hbm>> -> memref<1000000x32xf32, #tpu.memory_space<hbm>>
      tpu.enqueue_indirect_dma source(%dma_start3A_97 : memref<1000000x32xf32, #tpu.memory_space<hbm>>) target(%dma_start3A_91 : memref<128x32xf32, #tpu.memory_space<vmem>>) offsets(%dma_start3A_94 : memref<128xi32, #tpu.memory_space<vmem>>) semaphore(%arg7 : memref<!tpu.dma_semaphore, #tpu.memory_space<semaphore_mem>>)
      %mul3A_98 = arith.constant 8 : i32
      %mul3A_99 = arith.muli %scan3A_8, %mul3A_98 : i32
      %add3A_100 = arith.constant 6 : i32
      %add3A_101 = arith.addi %mul3A_99, %add3A_100 : i32
      %dma_start3A_102 = arith.constant 6 : i32
      %dma_start3A_103 = arith.constant 0 : i32
      %dma_start3A_104 = arith.constant 0 : i32
      %dma_start3A_105 = tpu.memref_slice %arg6[%dma_start3A_102, %dma_start3A_103, %dma_start3A_104] : memref<8x128x32xf32, #tpu.memory_space<vmem>> -> memref<1x128x32xf32, #tpu.memory_space<vmem>>
      %dma_start3A_106 = tpu.memref_squeeze %dma_start3A_105 : memref<1x128x32xf32, #tpu.memory_space<vmem>> -> memref<128x32xf32, #tpu.memory_space<vmem>>
      %dma_start3A_107 = arith.constant 0 : i32
      %dma_start3A_108 = tpu.memref_slice %arg5[%add3A_101, %dma_start3A_107] : memref<104x128xi32, #tpu.memory_space<vmem>> -> memref<1x128xi32, #tpu.memory_space<vmem>>
      %dma_start3A_109 = tpu.memref_squeeze %dma_start3A_108 : memref<1x128xi32, #tpu.memory_space<vmem>> -> memref<128xi32, #tpu.memory_space<vmem>>
      %dma_start3A_110 = arith.constant 0 : i32
      %dma_start3A_111 = arith.constant 0 : i32
      %dma_start3A_112 = tpu.memref_slice %arg2[%dma_start3A_110, %dma_start3A_111] : memref<1000000x32xf32, #tpu.memory_space<hbm>> -> memref<1000000x32xf32, #tpu.memory_space<hbm>>
      tpu.enqueue_indirect_dma source(%dma_start3A_112 : memref<1000000x32xf32, #tpu.memory_space<hbm>>) target(%dma_start3A_106 : memref<128x32xf32, #tpu.memory_space<vmem>>) offsets(%dma_start3A_109 : memref<128xi32, #tpu.memory_space<vmem>>) semaphore(%arg7 : memref<!tpu.dma_semaphore, #tpu.memory_space<semaphore_mem>>)
      %mul3A_113 = arith.constant 8 : i32
      %mul3A_114 = arith.muli %scan3A_8, %mul3A_113 : i32
      %add3A_115 = arith.constant 7 : i32
      %add3A_116 = arith.addi %mul3A_114, %add3A_115 : i32
      %dma_start3A_117 = arith.constant 7 : i32
      %dma_start3A_118 = arith.constant 0 : i32
      %dma_start3A_119 = arith.constant 0 : i32
      %dma_start3A_120 = tpu.memref_slice %arg6[%dma_start3A_117, %dma_start3A_118, %dma_start3A_119] : memref<8x128x32xf32, #tpu.memory_space<vmem>> -> memref<1x128x32xf32, #tpu.memory_space<vmem>>
      %dma_start3A_121 = tpu.memref_squeeze %dma_start3A_120 : memref<1x128x32xf32, #tpu.memory_space<vmem>> -> memref<128x32xf32, #tpu.memory_space<vmem>>
      %dma_start3A_122 = arith.constant 0 : i32
      %dma_start3A_123 = tpu.memref_slice %arg5[%add3A_116, %dma_start3A_122] : memref<104x128xi32, #tpu.memory_space<vmem>> -> memref<1x128xi32, #tpu.memory_space<vmem>>
      %dma_start3A_124 = tpu.memref_squeeze %dma_start3A_123 : memref<1x128xi32, #tpu.memory_space<vmem>> -> memref<128xi32, #tpu.memory_space<vmem>>
      %dma_start3A_125 = arith.constant 0 : i32
      %dma_start3A_126 = arith.constant 0 : i32
      %dma_start3A_127 = tpu.memref_slice %arg2[%dma_start3A_125, %dma_start3A_126] : memref<1000000x32xf32, #tpu.memory_space<hbm>> -> memref<1000000x32xf32, #tpu.memory_space<hbm>>
      tpu.enqueue_indirect_dma source(%dma_start3A_127 : memref<1000000x32xf32, #tpu.memory_space<hbm>>) target(%dma_start3A_121 : memref<128x32xf32, #tpu.memory_space<vmem>>) offsets(%dma_start3A_124 : memref<128xi32, #tpu.memory_space<vmem>>) semaphore(%arg7 : memref<!tpu.dma_semaphore, #tpu.memory_space<semaphore_mem>>)
      %dma_wait3A = arith.constant 0 : i32
      %dma_wait3A_128 = arith.constant 0 : i32
      %dma_wait3A_129 = arith.constant 0 : i32
      %dma_wait3A_130 = tpu.memref_slice %arg6[%dma_wait3A, %dma_wait3A_128, %dma_wait3A_129] : memref<8x128x32xf32, #tpu.memory_space<vmem>> -> memref<1x128x32xf32, #tpu.memory_space<vmem>>
      %dma_wait3A_131 = tpu.memref_squeeze %dma_wait3A_130 : memref<1x128x32xf32, #tpu.memory_space<vmem>> -> memref<128x32xf32, #tpu.memory_space<vmem>>
      %dma_wait3A_132 = arith.constant 0 : i32
      %dma_wait3A_133 = tpu.memref_slice %arg5[%add3A_12, %dma_wait3A_132] : memref<104x128xi32, #tpu.memory_space<vmem>> -> memref<1x128xi32, #tpu.memory_space<vmem>>
      %dma_wait3A_134 = tpu.memref_squeeze %dma_wait3A_133 : memref<1x128xi32, #tpu.memory_space<vmem>> -> memref<128xi32, #tpu.memory_space<vmem>>
      %dma_wait3A_135 = arith.constant 0 : i32
      %dma_wait3A_136 = arith.constant 0 : i32
      %dma_wait3A_137 = tpu.memref_slice %arg2[%dma_wait3A_135, %dma_wait3A_136] : memref<1000000x32xf32, #tpu.memory_space<hbm>> -> memref<1000000x32xf32, #tpu.memory_space<hbm>>
      tpu.wait_indirect_dma semaphore(%arg7 : memref<!tpu.dma_semaphore, #tpu.memory_space<semaphore_mem>>) src(%dma_wait3A_137 : memref<1000000x32xf32, #tpu.memory_space<hbm>>) dst(%dma_wait3A_131 : memref<128x32xf32, #tpu.memory_space<vmem>>)
      %dma_wait3A_138 = arith.constant 1 : i32
      %dma_wait3A_139 = arith.constant 0 : i32
      %dma_wait3A_140 = arith.constant 0 : i32
      %dma_wait3A_141 = tpu.memref_slice %arg6[%dma_wait3A_138, %dma_wait3A_139, %dma_wait3A_140] : memref<8x128x32xf32, #tpu.memory_space<vmem>> -> memref<1x128x32xf32, #tpu.memory_space<vmem>>
      %dma_wait3A_142 = tpu.memref_squeeze %dma_wait3A_141 : memref<1x128x32xf32, #tpu.memory_space<vmem>> -> memref<128x32xf32, #tpu.memory_space<vmem>>
      %dma_wait3A_143 = arith.constant 0 : i32
      %dma_wait3A_144 = tpu.memref_slice %arg5[%add3A_26, %dma_wait3A_143] : memref<104x128xi32, #tpu.memory_space<vmem>> -> memref<1x128xi32, #tpu.memory_space<vmem>>
      %dma_wait3A_145 = tpu.memref_squeeze %dma_wait3A_144 : memref<1x128xi32, #tpu.memory_space<vmem>> -> memref<128xi32, #tpu.memory_space<vmem>>
      %dma_wait3A_146 = arith.constant 0 : i32
      %dma_wait3A_147 = arith.constant 0 : i32
      %dma_wait3A_148 = tpu.memref_slice %arg2[%dma_wait3A_146, %dma_wait3A_147] : memref<1000000x32xf32, #tpu.memory_space<hbm>> -> memref<1000000x32xf32, #tpu.memory_space<hbm>>
      tpu.wait_indirect_dma semaphore(%arg7 : memref<!tpu.dma_semaphore, #tpu.memory_space<semaphore_mem>>) src(%dma_wait3A_148 : memref<1000000x32xf32, #tpu.memory_space<hbm>>) dst(%dma_wait3A_142 : memref<128x32xf32, #tpu.memory_space<vmem>>)
      %dma_wait3A_149 = arith.constant 2 : i32
      %dma_wait3A_150 = arith.constant 0 : i32
      %dma_wait3A_151 = arith.constant 0 : i32
      %dma_wait3A_152 = tpu.memref_slice %arg6[%dma_wait3A_149, %dma_wait3A_150, %dma_wait3A_151] : memref<8x128x32xf32, #tpu.memory_space<vmem>> -> memref<1x128x32xf32, #tpu.memory_space<vmem>>
      %dma_wait3A_153 = tpu.memref_squeeze %dma_wait3A_152 : memref<1x128x32xf32, #tpu.memory_space<vmem>> -> memref<128x32xf32, #tpu.memory_space<vmem>>
      %dma_wait3A_154 = arith.constant 0 : i32
      %dma_wait3A_155 = tpu.memref_slice %arg5[%add3A_41, %dma_wait3A_154] : memref<104x128xi32, #tpu.memory_space<vmem>> -> memref<1x128xi32, #tpu.memory_space<vmem>>
      %dma_wait3A_156 = tpu.memref_squeeze %dma_wait3A_155 : memref<1x128xi32, #tpu.memory_space<vmem>> -> memref<128xi32, #tpu.memory_space<vmem>>
      %dma_wait3A_157 = arith.constant 0 : i32
      %dma_wait3A_158 = arith.constant 0 : i32
      %dma_wait3A_159 = tpu.memref_slice %arg2[%dma_wait3A_157, %dma_wait3A_158] : memref<1000000x32xf32, #tpu.memory_space<hbm>> -> memref<1000000x32xf32, #tpu.memory_space<hbm>>
      tpu.wait_indirect_dma semaphore(%arg7 : memref<!tpu.dma_semaphore, #tpu.memory_space<semaphore_mem>>) src(%dma_wait3A_159 : memref<1000000x32xf32, #tpu.memory_space<hbm>>) dst(%dma_wait3A_153 : memref<128x32xf32, #tpu.memory_space<vmem>>)
      %dma_wait3A_160 = arith.constant 3 : i32
      %dma_wait3A_161 = arith.constant 0 : i32
      %dma_wait3A_162 = arith.constant 0 : i32
      %dma_wait3A_163 = tpu.memref_slice %arg6[%dma_wait3A_160, %dma_wait3A_161, %dma_wait3A_162] : memref<8x128x32xf32, #tpu.memory_space<vmem>> -> memref<1x128x32xf32, #tpu.memory_space<vmem>>
      %dma_wait3A_164 = tpu.memref_squeeze %dma_wait3A_163 : memref<1x128x32xf32, #tpu.memory_space<vmem>> -> memref<128x32xf32, #tpu.memory_space<vmem>>
      %dma_wait3A_165 = arith.constant 0 : i32
      %dma_wait3A_166 = tpu.memref_slice %arg5[%add3A_56, %dma_wait3A_165] : memref<104x128xi32, #tpu.memory_space<vmem>> -> memref<1x128xi32, #tpu.memory_space<vmem>>
      %dma_wait3A_167 = tpu.memref_squeeze %dma_wait3A_166 : memref<1x128xi32, #tpu.memory_space<vmem>> -> memref<128xi32, #tpu.memory_space<vmem>>
      %dma_wait3A_168 = arith.constant 0 : i32
      %dma_wait3A_169 = arith.constant 0 : i32
      %dma_wait3A_170 = tpu.memref_slice %arg2[%dma_wait3A_168, %dma_wait3A_169] : memref<1000000x32xf32, #tpu.memory_space<hbm>> -> memref<1000000x32xf32, #tpu.memory_space<hbm>>
      tpu.wait_indirect_dma semaphore(%arg7 : memref<!tpu.dma_semaphore, #tpu.memory_space<semaphore_mem>>) src(%dma_wait3A_170 : memref<1000000x32xf32, #tpu.memory_space<hbm>>) dst(%dma_wait3A_164 : memref<128x32xf32, #tpu.memory_space<vmem>>)
      %dma_wait3A_171 = arith.constant 4 : i32
      %dma_wait3A_172 = arith.constant 0 : i32
      %dma_wait3A_173 = arith.constant 0 : i32
      %dma_wait3A_174 = tpu.memref_slice %arg6[%dma_wait3A_171, %dma_wait3A_172, %dma_wait3A_173] : memref<8x128x32xf32, #tpu.memory_space<vmem>> -> memref<1x128x32xf32, #tpu.memory_space<vmem>>
      %dma_wait3A_175 = tpu.memref_squeeze %dma_wait3A_174 : memref<1x128x32xf32, #tpu.memory_space<vmem>> -> memref<128x32xf32, #tpu.memory_space<vmem>>
      %dma_wait3A_176 = arith.constant 0 : i32
      %dma_wait3A_177 = tpu.memref_slice %arg5[%add3A_71, %dma_wait3A_176] : memref<104x128xi32, #tpu.memory_space<vmem>> -> memref<1x128xi32, #tpu.memory_space<vmem>>
      %dma_wait3A_178 = tpu.memref_squeeze %dma_wait3A_177 : memref<1x128xi32, #tpu.memory_space<vmem>> -> memref<128xi32, #tpu.memory_space<vmem>>
      %dma_wait3A_179 = arith.constant 0 : i32
      %dma_wait3A_180 = arith.constant 0 : i32
      %dma_wait3A_181 = tpu.memref_slice %arg2[%dma_wait3A_179, %dma_wait3A_180] : memref<1000000x32xf32, #tpu.memory_space<hbm>> -> memref<1000000x32xf32, #tpu.memory_space<hbm>>
      tpu.wait_indirect_dma semaphore(%arg7 : memref<!tpu.dma_semaphore, #tpu.memory_space<semaphore_mem>>) src(%dma_wait3A_181 : memref<1000000x32xf32, #tpu.memory_space<hbm>>) dst(%dma_wait3A_175 : memref<128x32xf32, #tpu.memory_space<vmem>>)
      %dma_wait3A_182 = arith.constant 5 : i32
      %dma_wait3A_183 = arith.constant 0 : i32
      %dma_wait3A_184 = arith.constant 0 : i32
      %dma_wait3A_185 = tpu.memref_slice %arg6[%dma_wait3A_182, %dma_wait3A_183, %dma_wait3A_184] : memref<8x128x32xf32, #tpu.memory_space<vmem>> -> memref<1x128x32xf32, #tpu.memory_space<vmem>>
      %dma_wait3A_186 = tpu.memref_squeeze %dma_wait3A_185 : memref<1x128x32xf32, #tpu.memory_space<vmem>> -> memref<128x32xf32, #tpu.memory_space<vmem>>
      %dma_wait3A_187 = arith.constant 0 : i32
      %dma_wait3A_188 = tpu.memref_slice %arg5[%add3A_86, %dma_wait3A_187] : memref<104x128xi32, #tpu.memory_space<vmem>> -> memref<1x128xi32, #tpu.memory_space<vmem>>
      %dma_wait3A_189 = tpu.memref_squeeze %dma_wait3A_188 : memref<1x128xi32, #tpu.memory_space<vmem>> -> memref<128xi32, #tpu.memory_space<vmem>>
      %dma_wait3A_190 = arith.constant 0 : i32
      %dma_wait3A_191 = arith.constant 0 : i32
      %dma_wait3A_192 = tpu.memref_slice %arg2[%dma_wait3A_190, %dma_wait3A_191] : memref<1000000x32xf32, #tpu.memory_space<hbm>> -> memref<1000000x32xf32, #tpu.memory_space<hbm>>
      tpu.wait_indirect_dma semaphore(%arg7 : memref<!tpu.dma_semaphore, #tpu.memory_space<semaphore_mem>>) src(%dma_wait3A_192 : memref<1000000x32xf32, #tpu.memory_space<hbm>>) dst(%dma_wait3A_186 : memref<128x32xf32, #tpu.memory_space<vmem>>)
      %dma_wait3A_193 = arith.constant 6 : i32
      %dma_wait3A_194 = arith.constant 0 : i32
      %dma_wait3A_195 = arith.constant 0 : i32
      %dma_wait3A_196 = tpu.memref_slice %arg6[%dma_wait3A_193, %dma_wait3A_194, %dma_wait3A_195] : memref<8x128x32xf32, #tpu.memory_space<vmem>> -> memref<1x128x32xf32, #tpu.memory_space<vmem>>
      %dma_wait3A_197 = tpu.memref_squeeze %dma_wait3A_196 : memref<1x128x32xf32, #tpu.memory_space<vmem>> -> memref<128x32xf32, #tpu.memory_space<vmem>>
      %dma_wait3A_198 = arith.constant 0 : i32
      %dma_wait3A_199 = tpu.memref_slice %arg5[%add3A_101, %dma_wait3A_198] : memref<104x128xi32, #tpu.memory_space<vmem>> -> memref<1x128xi32, #tpu.memory_space<vmem>>
      %dma_wait3A_200 = tpu.memref_squeeze %dma_wait3A_199 : memref<1x128xi32, #tpu.memory_space<vmem>> -> memref<128xi32, #tpu.memory_space<vmem>>
      %dma_wait3A_201 = arith.constant 0 : i32
      %dma_wait3A_202 = arith.constant 0 : i32
      %dma_wait3A_203 = tpu.memref_slice %arg2[%dma_wait3A_201, %dma_wait3A_202] : memref<1000000x32xf32, #tpu.memory_space<hbm>> -> memref<1000000x32xf32, #tpu.memory_space<hbm>>
      tpu.wait_indirect_dma semaphore(%arg7 : memref<!tpu.dma_semaphore, #tpu.memory_space<semaphore_mem>>) src(%dma_wait3A_203 : memref<1000000x32xf32, #tpu.memory_space<hbm>>) dst(%dma_wait3A_197 : memref<128x32xf32, #tpu.memory_space<vmem>>)
      %dma_wait3A_204 = arith.constant 7 : i32
      %dma_wait3A_205 = arith.constant 0 : i32
      %dma_wait3A_206 = arith.constant 0 : i32
      %dma_wait3A_207 = tpu.memref_slice %arg6[%dma_wait3A_204, %dma_wait3A_205, %dma_wait3A_206] : memref<8x128x32xf32, #tpu.memory_space<vmem>> -> memref<1x128x32xf32, #tpu.memory_space<vmem>>
      %dma_wait3A_208 = tpu.memref_squeeze %dma_wait3A_207 : memref<1x128x32xf32, #tpu.memory_space<vmem>> -> memref<128x32xf32, #tpu.memory_space<vmem>>
      %dma_wait3A_209 = arith.constant 0 : i32
      %dma_wait3A_210 = tpu.memref_slice %arg5[%add3A_116, %dma_wait3A_209] : memref<104x128xi32, #tpu.memory_space<vmem>> -> memref<1x128xi32, #tpu.memory_space<vmem>>
      %dma_wait3A_211 = tpu.memref_squeeze %dma_wait3A_210 : memref<1x128xi32, #tpu.memory_space<vmem>> -> memref<128xi32, #tpu.memory_space<vmem>>
      %dma_wait3A_212 = arith.constant 0 : i32
      %dma_wait3A_213 = arith.constant 0 : i32
      %dma_wait3A_214 = tpu.memref_slice %arg2[%dma_wait3A_212, %dma_wait3A_213] : memref<1000000x32xf32, #tpu.memory_space<hbm>> -> memref<1000000x32xf32, #tpu.memory_space<hbm>>
      tpu.wait_indirect_dma semaphore(%arg7 : memref<!tpu.dma_semaphore, #tpu.memory_space<semaphore_mem>>) src(%dma_wait3A_214 : memref<1000000x32xf32, #tpu.memory_space<hbm>>) dst(%dma_wait3A_208 : memref<128x32xf32, #tpu.memory_space<vmem>>)
      %scan3A_215 = arith.constant 0 : i32
      %scan3A_216 = arith.constant 0 : i32
      %scan3A_217 = arith.constant 1024 : i32
      %scan3A_218 = arith.addi %scan3A_216, %scan3A_217 : i32
      %scan3A_219 = arith.constant 2 : i32
      scf.for %scan3A_224 = %scan3A_216 to %scan3A_218 step %scan3A_219  : i32 {
        %jit3A = arith.constant 128 : i32
        %div3A = arith.divsi %scan3A_224, %jit3A : i32
        %sign3A = arith.constant 0 : i32
        %sign3A_225 = arith.cmpi sgt, %scan3A_224, %sign3A : i32
        %sign3A_226 = arith.extui %sign3A_225 : i1 to i32
        %sign3A_227 = arith.constant 0 : i32
        %sign3A_228 = arith.cmpi slt, %scan3A_224, %sign3A_227 : i32
        %sign3A_229 = arith.extui %sign3A_228 : i1 to i32
        %sign3A_230 = arith.subi %sign3A_226, %sign3A_229 : i32
        %sign3A_231 = arith.constant 0 : i32
        %sign3A_232 = arith.cmpi sgt, %jit3A, %sign3A_231 : i32
        %sign3A_233 = arith.extui %sign3A_232 : i1 to i32
        %sign3A_234 = arith.constant 0 : i32
        %sign3A_235 = arith.cmpi slt, %jit3A, %sign3A_234 : i32
        %sign3A_236 = arith.extui %sign3A_235 : i1 to i32
        %sign3A_237 = arith.subi %sign3A_233, %sign3A_236 : i32
        %ne3A = arith.cmpi ne, %sign3A_230, %sign3A_237 : i32
        %rem3A = arith.remsi %scan3A_224, %jit3A : i32
        %ne3A_238 = arith.constant 0 : i32
        %ne3A_239 = arith.cmpi ne, %rem3A, %ne3A_238 : i32
        %and3A = arith.andi %ne3A, %ne3A_239 : i1
        %sub3A = arith.constant 1 : i32
        %sub3A_240 = arith.subi %div3A, %sub3A : i32
        %select_n3A = arith.select %and3A, %sub3A_240, %div3A : i32
        %jit3A_241 = arith.constant 128 : i32
        %eq3A = arith.constant 0 : i32
        %eq3A_242 = arith.cmpi eq, %jit3A_241, %eq3A : i32
        %jit3A_243 = arith.constant 1 : i32
        %select_n3A_244 = arith.select %eq3A_242, %jit3A_243, %jit3A_241 : i32
        %rem3A_245 = arith.remsi %scan3A_224, %select_n3A_244 : i32
        %ne3A_246 = arith.constant 0 : i32
        %ne3A_247 = arith.cmpi ne, %rem3A_245, %ne3A_246 : i32
        %lt3A = arith.constant 0 : i32
        %lt3A_248 = arith.cmpi slt, %rem3A_245, %lt3A : i32
        %lt3A_249 = arith.constant 0 : i32
        %lt3A_250 = arith.cmpi slt, %select_n3A_244, %lt3A_249 : i32
        %ne3A_251 = arith.xori %lt3A_248, %lt3A_250 : i1
        %and3A_252 = arith.andi %ne3A_251, %ne3A_247 : i1
        %add3A_253 = arith.addi %rem3A_245, %select_n3A_244 : i32
        %select_n3A_254 = arith.select %and3A_252, %add3A_253, %rem3A_245 : i32
        %get3A = arith.index_cast %select_n3A : i32 to index
        %get3A_255 = arith.index_cast %select_n3A_254 : i32 to index
        %get3A_256 = arith.constant 0 : index
        %get3A_257 = tpu.vector_load %arg6[%get3A, %get3A_255, %get3A_256] {strides = array<i32>} : memref<8x128x32xf32, #tpu.memory_space<vmem>>, vector<1x1x16xf32>,
        %get3A_258 = vector.shape_cast %get3A_257 : vector<1x1x16xf32> to vector<16xf32>
        %mul3A_259 = arith.constant 5.65685415 : f32
        %mul3A_260 = vector.broadcast %mul3A_259 : f32 to vector<16xf32>
        %mul3A_261 = arith.mulf %get3A_258, %mul3A_260 : vector<16xf32>
        %swap3A = arith.index_cast %select_n3A : i32 to index
        %swap3A_262 = arith.index_cast %select_n3A_254 : i32 to index
        %swap3A_263 = arith.constant 0 : index
        %swap3A_264 = tpu.vector_load %arg6[%swap3A, %swap3A_262, %swap3A_263] {strides = array<i32>} : memref<8x128x32xf32, #tpu.memory_space<vmem>>, vector<1x1x16xf32>,
        %swap3A_265 = vector.shape_cast %swap3A_264 : vector<1x1x16xf32> to vector<16xf32>
        %swap3A_266 = vector.shape_cast %mul3A_261 : vector<16xf32> to vector<1x1x16xf32>
        tpu.vector_store %arg6[%swap3A, %swap3A_262, %swap3A_263], %swap3A_266 {strides = array<i32>} : memref<8x128x32xf32, #tpu.memory_space<vmem>>, vector<1x1x16xf32>,
        %get3A_267 = arith.index_cast %select_n3A : i32 to index
        %get3A_268 = arith.index_cast %select_n3A_254 : i32 to index
        %get3A_269 = arith.constant 16 : index
        %get3A_270 = tpu.vector_load %arg6[%get3A_267, %get3A_268, %get3A_269] {strides = array<i32>} : memref<8x128x32xf32, #tpu.memory_space<vmem>>, vector<1x1x16xf32>,
        %get3A_271 = vector.shape_cast %get3A_270 : vector<1x1x16xf32> to vector<16xf32>
        %mul3A_272 = arith.constant 5.65685415 : f32
        %mul3A_273 = vector.broadcast %mul3A_272 : f32 to vector<16xf32>
        %mul3A_274 = arith.mulf %get3A_271, %mul3A_273 : vector<16xf32>
        %swap3A_275 = arith.index_cast %select_n3A : i32 to index
        %swap3A_276 = arith.index_cast %select_n3A_254 : i32 to index
        %swap3A_277 = arith.constant 16 : index
        %swap3A_278 = tpu.vector_load %arg6[%swap3A_275, %swap3A_276, %swap3A_277] {strides = array<i32>} : memref<8x128x32xf32, #tpu.memory_space<vmem>>, vector<1x1x16xf32>,
        %swap3A_279 = vector.shape_cast %swap3A_278 : vector<1x1x16xf32> to vector<16xf32>
        %swap3A_280 = vector.shape_cast %mul3A_274 : vector<16xf32> to vector<1x1x16xf32>
        tpu.vector_store %arg6[%swap3A_275, %swap3A_276, %swap3A_277], %swap3A_280 {strides = array<i32>} : memref<8x128x32xf32, #tpu.memory_space<vmem>>, vector<1x1x16xf32>,
        %scan3A_281 = arith.constant 1 : i32
        %scan3A_282 = arith.addi %scan3A_224, %scan3A_281 : i32
        %jit3A_283 = arith.constant 128 : i32
        %div3A_284 = arith.divsi %scan3A_282, %jit3A_283 : i32
        %sign3A_285 = arith.constant 0 : i32
        %sign3A_286 = arith.cmpi sgt, %scan3A_282, %sign3A_285 : i32
        %sign3A_287 = arith.extui %sign3A_286 : i1 to i32
        %sign3A_288 = arith.constant 0 : i32
        %sign3A_289 = arith.cmpi slt, %scan3A_282, %sign3A_288 : i32
        %sign3A_290 = arith.extui %sign3A_289 : i1 to i32
        %sign3A_291 = arith.subi %sign3A_287, %sign3A_290 : i32
        %sign3A_292 = arith.constant 0 : i32
        %sign3A_293 = arith.cmpi sgt, %jit3A_283, %sign3A_292 : i32
        %sign3A_294 = arith.extui %sign3A_293 : i1 to i32
        %sign3A_295 = arith.constant 0 : i32
        %sign3A_296 = arith.cmpi slt, %jit3A_283, %sign3A_295 : i32
        %sign3A_297 = arith.extui %sign3A_296 : i1 to i32
        %sign3A_298 = arith.subi %sign3A_294, %sign3A_297 : i32
        %ne3A_299 = arith.cmpi ne, %sign3A_291, %sign3A_298 : i32
        %rem3A_300 = arith.remsi %scan3A_282, %jit3A_283 : i32
        %ne3A_301 = arith.constant 0 : i32
        %ne3A_302 = arith.cmpi ne, %rem3A_300, %ne3A_301 : i32
        %and3A_303 = arith.andi %ne3A_299, %ne3A_302 : i1
        %sub3A_304 = arith.constant 1 : i32
        %sub3A_305 = arith.subi %div3A_284, %sub3A_304 : i32
        %select_n3A_306 = arith.select %and3A_303, %sub3A_305, %div3A_284 : i32
        %jit3A_307 = arith.constant 128 : i32
        %eq3A_308 = arith.constant 0 : i32
        %eq3A_309 = arith.cmpi eq, %jit3A_307, %eq3A_308 : i32
        %jit3A_310 = arith.constant 1 : i32
        %select_n3A_311 = arith.select %eq3A_309, %jit3A_310, %jit3A_307 : i32
        %rem3A_312 = arith.remsi %scan3A_282, %select_n3A_311 : i32
        %ne3A_313 = arith.constant 0 : i32
        %ne3A_314 = arith.cmpi ne, %rem3A_312, %ne3A_313 : i32
        %lt3A_315 = arith.constant 0 : i32
        %lt3A_316 = arith.cmpi slt, %rem3A_312, %lt3A_315 : i32
        %lt3A_317 = arith.constant 0 : i32
        %lt3A_318 = arith.cmpi slt, %select_n3A_311, %lt3A_317 : i32
        %ne3A_319 = arith.xori %lt3A_316, %lt3A_318 : i1
        %and3A_320 = arith.andi %ne3A_319, %ne3A_314 : i1
        %add3A_321 = arith.addi %rem3A_312, %select_n3A_311 : i32
        %select_n3A_322 = arith.select %and3A_320, %add3A_321, %rem3A_312 : i32
        %get3A_323 = arith.index_cast %select_n3A_306 : i32 to index
        %get3A_324 = arith.index_cast %select_n3A_322 : i32 to index
        %get3A_325 = arith.constant 0 : index
        %get3A_326 = tpu.vector_load %arg6[%get3A_323, %get3A_324, %get3A_325] {strides = array<i32>} : memref<8x128x32xf32, #tpu.memory_space<vmem>>, vector<1x1x16xf32>,
        %get3A_327 = vector.shape_cast %get3A_326 : vector<1x1x16xf32> to vector<16xf32>
        %mul3A_328 = arith.constant 5.65685415 : f32
        %mul3A_329 = vector.broadcast %mul3A_328 : f32 to vector<16xf32>
        %mul3A_330 = arith.mulf %get3A_327, %mul3A_329 : vector<16xf32>
        %swap3A_331 = arith.index_cast %select_n3A_306 : i32 to index
        %swap3A_332 = arith.index_cast %select_n3A_322 : i32 to index
        %swap3A_333 = arith.constant 0 : index
        %swap3A_334 = tpu.vector_load %arg6[%swap3A_331, %swap3A_332, %swap3A_333] {strides = array<i32>} : memref<8x128x32xf32, #tpu.memory_space<vmem>>, vector<1x1x16xf32>,
        %swap3A_335 = vector.shape_cast %swap3A_334 : vector<1x1x16xf32> to vector<16xf32>
        %swap3A_336 = vector.shape_cast %mul3A_330 : vector<16xf32> to vector<1x1x16xf32>
        tpu.vector_store %arg6[%swap3A_331, %swap3A_332, %swap3A_333], %swap3A_336 {strides = array<i32>} : memref<8x128x32xf32, #tpu.memory_space<vmem>>, vector<1x1x16xf32>,
        %get3A_337 = arith.index_cast %select_n3A_306 : i32 to index
        %get3A_338 = arith.index_cast %select_n3A_322 : i32 to index
        %get3A_339 = arith.constant 16 : index
        %get3A_340 = tpu.vector_load %arg6[%get3A_337, %get3A_338, %get3A_339] {strides = array<i32>} : memref<8x128x32xf32, #tpu.memory_space<vmem>>, vector<1x1x16xf32>,
        %get3A_341 = vector.shape_cast %get3A_340 : vector<1x1x16xf32> to vector<16xf32>
        %mul3A_342 = arith.constant 5.65685415 : f32
        %mul3A_343 = vector.broadcast %mul3A_342 : f32 to vector<16xf32>
        %mul3A_344 = arith.mulf %get3A_341, %mul3A_343 : vector<16xf32>
        %swap3A_345 = arith.index_cast %select_n3A_306 : i32 to index
        %swap3A_346 = arith.index_cast %select_n3A_322 : i32 to index
        %swap3A_347 = arith.constant 16 : index
        %swap3A_348 = tpu.vector_load %arg6[%swap3A_345, %swap3A_346, %swap3A_347] {strides = array<i32>} : memref<8x128x32xf32, #tpu.memory_space<vmem>>, vector<1x1x16xf32>,
        %swap3A_349 = vector.shape_cast %swap3A_348 : vector<1x1x16xf32> to vector<16xf32>
        %swap3A_350 = vector.shape_cast %mul3A_344 : vector<16xf32> to vector<1x1x16xf32>
        tpu.vector_store %arg6[%swap3A_345, %swap3A_346, %swap3A_347], %swap3A_350 {strides = array<i32>} : memref<8x128x32xf32, #tpu.memory_space<vmem>>, vector<1x1x16xf32>,
      }
      %scan3A_220 = arith.constant 1024 : i32
      %mul3A_221 = arith.constant 8 : i32
      %mul3A_222 = arith.muli %scan3A_8, %mul3A_221 : i32
      %add3A_223 = arith.addi %mul3A_2, %mul3A_222 : i32
      "tpu.region"() ({
        %run_scoped3A = tpu.sem_alloc : memref<!tpu.dma_semaphore, #tpu.memory_space<semaphore_mem>>
        %dma_start3A_224 = arith.constant 0 : i32
        %dma_start3A_225 = arith.constant 0 : i32
        %dma_start3A_226 = tpu.memref_slice %arg4[%add3A_223, %dma_start3A_224, %dma_start3A_225] : memref<3328x128x32xf32, #tpu.memory_space<hbm>> -> memref<8x128x32xf32, #tpu.memory_space<hbm>>
        %dma_start3A_227 = arith.constant 0 : i32
        %dma_start3A_228 = arith.constant 0 : i32
        %dma_start3A_229 = tpu.memref_slice %arg4[%add3A_223, %dma_start3A_227, %dma_start3A_228] : memref<3328x128x32xf32, #tpu.memory_space<hbm>> -> memref<8x128x32xf32, #tpu.memory_space<hbm>>
        tpu.enqueue_dma source(%arg6 : memref<8x128x32xf32, #tpu.memory_space<vmem>>) target(%dma_start3A_229 : memref<8x128x32xf32, #tpu.memory_space<hbm>>) target_semaphore(%run_scoped3A : memref<!tpu.dma_semaphore, #tpu.memory_space<semaphore_mem>>)
        %dma_wait3A_230 = arith.constant 0 : i32
        %dma_wait3A_231 = arith.constant 0 : i32
        %dma_wait3A_232 = tpu.memref_slice %arg4[%add3A_223, %dma_wait3A_230, %dma_wait3A_231] : memref<3328x128x32xf32, #tpu.memory_space<hbm>> -> memref<8x128x32xf32, #tpu.memory_space<hbm>>
        %dma_wait3A_233 = arith.constant 0 : i32
        %dma_wait3A_234 = arith.constant 0 : i32
        %dma_wait3A_235 = tpu.memref_slice %arg4[%add3A_223, %dma_wait3A_233, %dma_wait3A_234] : memref<3328x128x32xf32, #tpu.memory_space<hbm>> -> memref<8x128x32xf32, #tpu.memory_space<hbm>>
        tpu.wait_dma2 semaphore(%run_scoped3A : memref<!tpu.dma_semaphore, #tpu.memory_space<semaphore_mem>>) src(%arg6 : memref<8x128x32xf32, #tpu.memory_space<vmem>>) dst(%dma_wait3A_235 : memref<8x128x32xf32, #tpu.memory_space<hbm>>)
        tpu.yield
      }) : () -> ()
    }
    %scan3A_7 = arith.constant 13 : i32
    return
  }
}

</mosaic_0001>

<sc_bundles>
// kernel: kernel.3.cloned.1.call-start
scs
__scs_entry_jumppad:
0x0: {  	(pc) =	sbr.rel $0x88, $3  }
0x1: {  	(tag) =	ssettag $0x0;
	lr =	simm.s32 $0x1  }
0x2: {  	[smem:$0x3F9F] =	sst lr;
	_ =	strace $0xD0000000  }
0x3: {  	_ = 	snop  }
0x4: {  	_ = 	snop  }
0x5: {  	_ = 	snop  }
0x6: {  	_ = 	snop  }
0x7: {  	_ = 	snop  }
__scs_overlays_trampoline_lowered:
0x8: {  	[smem:$0x3FAE] =	sst s0  }
0x9: {  	[smem:$0x3FAF] =	sst s1  }
0xa: {  	[smem:$0x3FB0] =	sst s2  }
0xb: {  	[smem:$0x3FB1] =	sst s3  }
0xc: {  	[smem:$0x3FB2] =	sst s4  }
0xd: {  	[smem:$0x3FB3] =	sst s5  }
0xe: {  	[smem:$0x3FB4] =	sst s6  }
0xf: {  	[smem:$0x3FB5] =	sst s7  }
0x10: {  	[smem:$0x3FB6] =	sst s8  }
0x11: {  	[smem:$0x3FB7] =	sst s9;
	s0 =	simm.s32 @!p0 $0x0  }
0x12: {  	s1 =	sld [smem:$0x3F9D];
	s0 =	simm.s32 @p0 $0x1  }
0x13: {  	[smem:$0x3FB8] =	sst s0;
	s0 =	simm.s32 @!p1 $0x0  }
0x14: {  	s2 =	sld [smem:$0x3F9C];
	s0 =	simm.s32 @p1 $0x1  }
0x15: {  	[smem:$0x3FB9] =	sst s0;
	s0 =	simm.s32 @!p2 $0x0  }
0x16: {  	s3 =	sld [smem:$0x3FDB];
	s0 =	simm.s32 @p2 $0x1  }
0x17: {  	s4 =	simm.s32 $0x1BF5;
	[smem:$0x3FBB] =	sst s0  }
0x18: {  	s0 =	sld [smem:$0x3F9E];
	_ =	swait.ge [sflag:s4], $0x0  }
0x19: {  	s7 =	sld [smem:$0x3F9F]  }
0x1a: {  	s8 =	sadd.s32 $0xFFFFE003, lr  }
0x1b: {  	s9 =	sadd.s32 $0xFFFFFEF7, lr;
	s5 =	simm.s32 $0xFFFFFFFF;
	p2 =	slt.u32 s8, $0xFFFFF086  }
0x1c: {  	p1 =	slt.u32 s9, $0xF7A;
	s5 =	simm.s32 @!p2 $0x0  }
0x1d: {  	s5 =	simm.s32 @p1 $0x1;
	p0 =	seq.s32 s7, s2  }
0x1e: {  	s7 =	smul.u32 @!p0 $0xF7A, s2;
	p2 =	seq.s32 @!p0 s5, $0x0  }
0x1f: {  	s9 =	smul.u32 $0xF7A, s1;
	s8 =	simm.s32 @!p0 $0x1BF5;
	p2 =	por !p2, p0  }
0x20: {  	[sflag:s8] =	ssyncset.s32 @!p0 $0xFFFFF086;
	s6 =	sadd.s32 @!p0 s3, s7;
	s7 =	simm.s32 @!p0 $0x108  }
0x21: {  	s3 =	sadd.s32 s3, s9;
	s6 =	sadd.s32 @!p0 $0x88, s6;
	s7 =	simm.s32 @p2 $0x1082  }
0x22: {  	[simem:s7], [sflag:s8] =	dma.local @!p0 [hbm:s6], $0xF7A  }
0x23: {  	s9 =	sor.u32 $0xD0000000, s2;
	s6 =	simm.s32 $0x108;
	_ =	swait.ge @!p0 [sflag:s8], $0x0  }
0x24: {  	s3 =	sadd.s32 $0x88, s3;
	s6 =	simm.s32 @!p1 $0x1082;
	[sflag:s4] =	ssyncset.s32 $0xFFFFF086  }
0x25: {  	[simem:s6], [sflag:s4] =	dma.local [hbm:s3], $0xF7A  }
0x26: {  	[smem:$0x3F9F] =	sst s1;
	(tag) =	ssettag s2;
	_ =	strace s9  }
0x27: {  	s1 =	sld [smem:$0x3FAF]  }
0x28: {  	s2 =	sld [smem:$0x3FB0]  }
0x29: {  	s4 =	sld [smem:$0x3FB2]  }
0x2a: {  	p0 =	seq.s32 s5, $0x0;
	s5 =	sld [smem:$0x3FB3]  }
0x2b: {  	s6 =	sld [smem:$0x3FB4]  }
0x2c: {  	s7 =	sld [smem:$0x3FB5]  }
0x2d: {  	s3 =	simm.s32 $0x108;
	s8 =	sld [smem:$0x3FB6]  }
0x2e: {  	s3 =	simm.s32 @!p0 $0x1082;
	s9 =	sld [smem:$0x3FB7]  }
0x2f: {  	lr =	sadd.s32 s0, s3;
	s0 =	sld [smem:$0x3FAE]  }
0x30: {  	s3 =	sld [smem:$0x3FB1]  }
0x31: {  	[smem:$0x3FBA] =	sst s10  }
0x32: {  	s10 =	sld [smem:$0x3FB8];
	_ =	sdelay $0x3  }
0x33: {  	p0 =	seq.s32 s10, $0x1;
	s10 =	sld [smem:$0x3FBA];
	_ =	sdelay $0x3  }
0x34: {  	[smem:$0x3FBA] =	sst s10  }
0x35: {  	s10 =	sld [smem:$0x3FB9];
	_ =	sdelay $0x3  }
0x36: {  	p1 =	seq.s32 s10, $0x1;
	s10 =	sld [smem:$0x3FBA];
	_ =	sdelay $0x3  }
0x37: {  	[smem:$0x3FBA] =	sst s10  }
0x38: {  	s10 =	sld [smem:$0x3FBB]  }
0x39: {  	_ = 	snop;
	(pc) =	sbr.ind lr, $3  }
0x3a: {  	_ = 	snop  }
0x3b: {  	_ = 	snop  }
0x3c: {  	p2 =	seq.s32 s10, $0x1;
	s10 =	sld [smem:$0x3FBA]  }
0x3d: {  	_ =	shalt  }
0x3e: {  	_ =	shalt  }
0x3f: {  	_ =	shalt  }
0x40: {  	_ =	shalt  }
0x41: {  	_ =	shalt  }
0x42: {  	_ =	shalt  }
0x43: {  	_ =	shalt  }
0x44: {  	_ =	shalt  }
0x45: {  	_ =	shalt  }
0x46: {  	_ =	shalt  }
0x47: {  	_ =	shalt  }
0x48: {  	_ =	shalt  }
0x49: {  	_ =	shalt  }
0x4a: {  	_ =	shalt  }
0x4b: {  	_ =	shalt  }
0x4c: {  	_ =	shalt  }
0x4d: {  	_ =	shalt  }
0x4e: {  	_ =	shalt  }
0x4f: {  	_ =	shalt  }
0x50: {  	_ =	shalt  }
0x51: {  	_ =	shalt  }
0x52: {  	_ =	shalt  }
0x53: {  	_ =	shalt  }
0x54: {  	_ =	shalt  }
0x55: {  	_ =	shalt  }
0x56: {  	_ =	shalt  }
0x57: {  	_ =	shalt  }
0x58: {  	_ =	shalt  }
0x59: {  	_ =	shalt  }
0x5a: {  	_ =	shalt  }
0x5b: {  	_ =	shalt  }
0x5c: {  	_ =	shalt  }
0x5d: {  	_ =	shalt  }
0x5e: {  	_ =	shalt  }
0x5f: {  	_ =	shalt  }
0x60: {  	_ =	shalt  }
0x61: {  	_ =	shalt  }
0x62: {  	_ =	shalt  }
0x63: {  	_ =	shalt  }
0x64: {  	_ =	shalt  }
0x65: {  	_ =	shalt  }
0x66: {  	_ =	shalt  }
0x67: {  	_ =	shalt  }
0x68: {  	_ =	shalt  }
0x69: {  	_ =	shalt  }
0x6a: {  	_ =	shalt  }
0x6b: {  	_ =	shalt  }
0x6c: {  	_ =	shalt  }
0x6d: {  	_ =	shalt  }
0x6e: {  	_ =	shalt  }
0x6f: {  	_ =	shalt  }
0x70: {  	_ =	shalt  }
0x71: {  	_ =	shalt  }
0x72: {  	_ =	shalt  }
0x73: {  	_ =	shalt  }
0x74: {  	_ =	shalt  }
0x75: {  	_ =	shalt  }
0x76: {  	_ =	shalt  }
0x77: {  	_ =	shalt  }
0x78: {  	_ =	shalt  }
0x79: {  	_ =	shalt  }
0x7a: {  	_ =	shalt  }
0x7b: {  	_ =	shalt  }
0x7c: {  	_ =	shalt  }
0x7d: {  	_ =	shalt  }
0x7e: {  	_ =	shalt  }
0x7f: {  	_ =	shalt  }
0x80: {  	_ =	shalt  }
0x81: {  	_ =	shalt  }
0x82: {  	_ =	shalt  }
0x83: {  	_ =	shalt  }
0x84: {  	_ =	shalt  }
0x85: {  	_ =	shalt  }
0x86: {  	_ =	shalt  }
0x87: {  	_ =	shalt  }
.Lfunc_end0:
.L_simem_size_0:
called_computation.1_lowered:
.L_overlay_start_0:
0x88: {  	s2 =	sld [smem:$0x3FD9]  }
0x89: {  	s3 =	sld [smem:$0x3FFE];
	_ =	sdelay $0x1  }
0x8a: {  	s1 =	srdreg.scid  }
0x8b: {  	s0 =	sand.u32 $0x1, s1  }
0x8c: {  	s17 =	sshll.u32 s0, $0xA;
	s2 =	sadd.s32 s3, s2  }
0x8d: {  	s2 =	sadd.s32 s2, s17  }
0x8e: {  	[smem:$0x3FC6] =	sst s2  }
0x8f: {  	_ = 	snop  }
0x90: {  	s2 =	sld [smem:$0x3FD0];
	(tm) =	ssettm $0x1  }
0x91: {  	s18 =	sld [smem:$0x3FFB];
	_ =	sdelay $0x3  }
0x92: {  	_ =	strace s18  }
0x93: {  	s3 =	sld [smem:$0x3FFC];
	_ =	sdelay $0x3  }
0x94: {  	_ =	strace s3  }
0x95: {  	s3 =	sld [smem:$0x3FFD];
	_ =	sdelay $0x3  }
0x96: {  	_ =	strace s3  }
0x97: {  	_ =	strace $0x8FFFFFFF  }
0x98: {  	s19 =	sld [smem:$0x3FDB];
	_ =	sdelay $0x1  }
0x99: {  	s4 =	simm.s32 $_scs_section_size  }
0x9a: {  	s5 =	simm.s32 $_size__tile_overlayer_lowered;
	s6 =	simm.s32 $_tile_overlayer_lowered  }
0x9b: {  	s22 =	simm.s32 $0x1BFF;
	s21 =	sshll.u32 s6, $0x1;
	s3 =	sadd.s32 s4, s19  }
0x9c: {  	s7 =	simm.s32 $0x0;
	s20 =	sshll.u32 s5, $0x1;
	s5 =	sadd.s32 s21, s3  }
0x9d: {  	[timem:s7], [sflag:s22] =	dma.local [hbm:s5], s20  }
0x9e: {  	_ =	swait.ge [sflag:s22], s20  }
0x9f: {  	s4 =	ssub.s32 $0x0, s20;
	[sflag:s22] =	ssyncset.done $0x0  }
0xa0: {  	[sflag:s22] =	ssyncadd.s32 s4;
	_ =	sdelay $0x1  }
0xa1: {  	s23 =	simm.s32 $0x1B8B  }
0xa2: {  	_ =	swait.ge [sflag:s23], $0x1  }
0xa3: {  	[sflag:s23] =	ssyncset.done $0x0  }
0xa4: {  	s25 =	simm.s32 $0x1B8E;
	s24 =	sld [smem:$0x3FFE];
	[sflag:s23] =	ssyncadd.s32 $0xFFFFFFFF  }
0xa5: {  	s26 =	simm.s32 $execute0_lowered;
	[smem:$0x3FD2] =	sst s25  }
0xa6: {  	s5 =	sshll.u32 s26, $0x1;
	_ =	strace $0x80000046;
	[dreg:$0x1] =	wrdreg $0xFFFFFFFF  }
0xa7: {  	s28 =	simm.s32 $_size_execute0_lowered;
	s3 =	sadd.s32 s3, s5;
	[dreg:$0x0] =	wrdreg $0x0  }
0xa8: {  	s5 =	sshll.u32 s28, $0x1;
	[dreg:$0x2] =	wrdreg s3  }
0xa9: {  	[dreg:$0x3] =	wrdreg s5  }
0xaa: {  	[dreg:$0x4] =	wrdreg $0xC0  }
0xab: {  	_ =	task [dreg:s7], $0x5FFFF  }
0xac: {  	[dreg:$0x1] =	wrdreg $0xFFFFFFFF  }
0xad: {  	[dreg:$0x0] =	wrdreg $0x60  }
0xae: {  	[dreg:$0x2] =	wrdreg s24  }
0xaf: {  	[dreg:$0x3] =	wrdreg s2  }
0xb0: {  	[dreg:$0x4] =	wrdreg $0x9  }
0xb1: {  	_ =	task.clear_ibuf [dreg:s7], $0x5FFFF;
	_ =	strace $0x90000046  }
0xb2: {  	s29 =	simm.s32 $0x9;
	_ =	strace $0x80000048  }
0xb3: {  	_ =	swait.ge [sflag:s29], $0x1  }
0xb4: {  	[sflag:s29] =	ssyncadd.s32 $0xFFFFFFFF  }
0xb5: {  	_ =	strace $0x90000048  }
0xb6: {  	_ =	sfence  }
0xb7: {  	s30 =	sld [smem:$0x0];
	_ =	sdelay $0x2  }
0xb8: {  	s31 =	sshll.u32 s1, $0xD;
	s1 =	sshrl.u32 s1, $0x2  }
0xb9: {  	s3 =	sand.u32 $0x4000, s31;
	s1 =	sadd.s32 s1, s30  }
0xba: {  	s0 =	sor.u32 s3, s0;
	s1 =	sshll.u32 s1, $0x11  }
0xbb: {  	s0 =	sor.u32 s1, s0  }
0xbc: {  	s0 =	sadd.s32 $0x8F2B, s0  }
0xbd: {  	[sflag:s0] =	ssyncadd.remote.s32 $0x1  }
0xbe: {  	_ =	sfence.sel $0xFFFF  }
0xbf: {  	[dreg:$0x0] =	wrdreg $0xFFFFFFFF;
	(pc) =	sbr.abs _section_cstart, $3  }
0xc0: {  	[dreg:$0x1] =	wrdreg $0xFFFFFFFF  }
0xc1: {  	_ =	task.clear_ibuf [dreg:s7], $0x2FFFF;
	_ =	strace $0x9FFFFFFF  }
0xc2: {  	(tm) =	ssettm $0x7FFFFFFF  }
0xc3: {  	_ =	shalt  }
tec
execute0_lowered:
.L_overlay_start_1:
0x0: {  	(tag) =	ssettag $0x1  }
0x1: {  	s5 =	rddreg [dreg:$0x0];
	s1 =	srdreg.scid  }
0x2: {  	s0 =	stileid.u32;
	s2 =	rddreg [dreg:$0x1];
	s3 =	simm.s32 $0x0  }
0x3: {  	s10 =	simm.s32 $0x3400;
	s11 =	simm.s32 $0x4400;
	s12 =	simm.s32 $0x5400  }
0x4: {  	s13 =	simm.s32 $0x6400;
	s14 =	simm.s32 $0x7400;
	s15 =	simm.s32 $0x8400  }
0x5: {  	s16 =	simm.s32 $0x9400;
	s17 =	simm.s32 $0xA400;
	s18 =	simm.s32 $0x1  }
0x6: {  	s4 =	sand.u32 $0x1, s1;
	s6 =	sshll.u32 s0, $0x1;
	s1 =	rddreg [dreg:$0x2]  }
0x7: {  	s19 =	simm.s32 $0x0;
	[smem:$0x7FF] =	sst s3;
	s6 =	sor.u32 s4, s6  }
0x8: {  	s8 =	ssub.s32 $0x2, s4;
	_ =	strace $0x80000047;
	s7 =	smul.u32 $0x680, s6  }
0x9: {  	s4 =	sadd.s32 $0xF42E00, s5;
	s9 =	sshrl.u32 s8, $0x1;
	s6 =	smul.u32 $0x68000, s6  }
0xa: {  	s31 =	ssub.s32 s8, s9;
	s8 =	simm.s32 $0x2;
	s5 =	sadd.s32 s7, s5  }
0xb: {  	s9 =	simm.s32 $0x80;
	s7 =	smax.u32 s31, $0x1;
	s5 =	sadd.s32 $0xA00, s5  }
.LBB2_1:
0xc: {  	[tilespmem:s3], [sflag:$0x2] =	stream.linear.gather [hbm4b:s5+s3], $0x3400, $0x38;
	[tilespmem:$0xB400] =	vst v63  }
0xd: {  	_ =	swait.ge [sflag:s8], $0x3400  }
0xe: {  	[sflag:s8] =	ssyncset.done $0x0  }
0xf: {  	s20 =	simm.s32 $0x0;
	[sflag:s8] =	ssyncadd.s32 $0xFFFFCC00  }
.LBB2_2:
0x10: {  	s21 =	sshll.u32 s20, $0xA  }
0x11: {  	s21 =	sand.u32 $0x3FFFFC00, s21  }
0x12: {  	[tilespmem:s10], [sflag:$0x1] =	stream.indirect.gather [hbm4b:s4+s9], $0x20, s21, s9, $0xb8;
	[tilespmem:$0xB400] =	vst v63  }
0x13: {  	s22 =	sor.u32 $0x80, s21  }
0x14: {  	[tilespmem:s11], [sflag:$0x1] =	stream.indirect.gather [hbm4b:s4+s9], $0x20, s22, s9, $0xb8;
	[tilespmem:$0xB400] =	vst v63  }
0x15: {  	s26 =	sor.u32 $0x100, s21  }
0x16: {  	[tilespmem:s12], [sflag:$0x1] =	stream.indirect.gather [hbm4b:s4+s9], $0x20, s26, s9, $0xb8;
	[tilespmem:$0xB400] =	vst v63  }
0x17: {  	s28 =	sor.u32 $0x180, s21  }
0x18: {  	[tilespmem:s13], [sflag:$0x1] =	stream.indirect.gather [hbm4b:s4+s9], $0x20, s28, s9, $0xb8;
	[tilespmem:$0xB400] =	vst v63  }
0x19: {  	s29 =	sor.u32 $0x200, s21  }
0x1a: {  	[tilespmem:s14], [sflag:$0x1] =	stream.indirect.gather [hbm4b:s4+s9], $0x20, s29, s9, $0xb8;
	[tilespmem:$0xB400] =	vst v63  }
0x1b: {  	s30 =	sor.u32 $0x280, s21  }
0x1c: {  	[tilespmem:s15], [sflag:$0x1] =	stream.indirect.gather [hbm4b:s4+s9], $0x20, s30, s9, $0xb8;
	[tilespmem:$0xB400] =	vst v63  }
0x1d: {  	s31 =	sor.u32 $0x300, s21  }
0x1e: {  	[tilespmem:s16], [sflag:$0x1] =	stream.indirect.gather [hbm4b:s4+s9], $0x20, s31, s9, $0xb8;
	[tilespmem:$0xB400] =	vst v63  }
0x1f: {  	s21 =	sor.u32 $0x380, s21  }
0x20: {  	[tilespmem:s17], [sflag:$0x1] =	stream.indirect.gather [hbm4b:s4+s9], $0x20, s21, s9, $0xb8;
	[tilespmem:$0xB400] =	vst v63  }
0x21: {  	_ =	swait.ge [sflag:s18], $0x1000  }
0x22: {  	[sflag:s18] =	ssyncset.done $0x0  }
0x23: {  	[sflag:s18] =	ssyncadd.s32 $0xFFFFF000  }
0x24: {  	_ =	swait.ge [sflag:s18], $0x1000  }
0x25: {  	[sflag:s18] =	ssyncset.done $0x0  }
0x26: {  	[sflag:s18] =	ssyncadd.s32 $0xFFFFF000  }
0x27: {  	_ =	swait.ge [sflag:s18], $0x1000  }
0x28: {  	[sflag:s18] =	ssyncset.done $0x0  }
0x29: {  	[sflag:s18] =	ssyncadd.s32 $0xFFFFF000  }
0x2a: {  	_ =	swait.ge [sflag:s18], $0x1000  }
0x2b: {  	[sflag:s18] =	ssyncset.done $0x0  }
0x2c: {  	[sflag:s18] =	ssyncadd.s32 $0xFFFFF000  }
0x2d: {  	_ =	swait.ge [sflag:s18], $0x1000  }
0x2e: {  	[sflag:s18] =	ssyncset.done $0x0  }
0x2f: {  	[sflag:s18] =	ssyncadd.s32 $0xFFFFF000  }
0x30: {  	_ =	swait.ge [sflag:s18], $0x1000  }
0x31: {  	[sflag:s18] =	ssyncset.done $0x0  }
0x32: {  	[sflag:s18] =	ssyncadd.s32 $0xFFFFF000  }
0x33: {  	_ =	swait.ge [sflag:s18], $0x1000  }
0x34: {  	[sflag:s18] =	ssyncset.done $0x0  }
0x35: {  	[sflag:s18] =	ssyncadd.s32 $0xFFFFF000  }
0x36: {  	_ =	swait.ge [sflag:s18], $0x1000  }
0x37: {  	[sflag:s18] =	ssyncset.done $0x0  }
0x38: {  	s21 =	simm.s32 $0x3420;
	[sflag:s18] =	ssyncadd.s32 $0xFFFFF000  }
0x39: {  	v0 =	vld [tilespmem:s21+$0xFFFFFFE0];
	_ =	sdelay $0x2  }
0x3a: {  	v1 =	vld [tilespmem:s21+$0x0]  }
0x3b: {  	v2 =	vld [tilespmem:s21+$0x10]  }
0x3c: {  	v3 =	vmul.f32 $5.656854150e+00, v0;
	v0 =	vld [tilespmem:s21+$0xFFFFFFF0];
	_ =	sdelay $0x2  }
0x3d: {  	v1 =	vmul.f32 $5.656854150e+00, v1  }
0x3e: {  	s23 =	simm.s32 $0x3460;
	s22 =	simm.s32 $0x0;
	v2 =	vmul.f32 $5.656854150e+00, v2;
	[tilespmem:s21+$0xFFFFFFE0] =	vst v3  }
.LBB2_3:
0x3f: {  	v3 =	vld [tilespmem:s23+$0xFFFFFFE0];
	v0 =	vmul.f32 $5.656854150e+00, v0;
	[tilespmem:s21+$0x0] =	vst v1  }
0x40: {  	s22 =	sadd.s32 $0x2, s22;
	v1 =	vld [tilespmem:s23+$0x0];
	[tilespmem:s21+$0x10] =	vst v2  }
0x41: {  	p0 =	slt.u32 s22, $0x3FE;
	v2 =	vld [tilespmem:s23+$0x10];
	[tilespmem:s21+$0xFFFFFFF0] =	vst v0;
	s21 =	smov.u32 s23  }
.Ltmp0:
0x42: {  	v0 =	vld [tilespmem:s23+$0xFFFFFFF0];
	(pc) =	sbr.rel @p0 .LBB2_3-.Ltmp0, $4  }
0x43: {  	_ = 	snop  }
0x44: {  	v3 =	vmul.f32 $5.656854150e+00, v3  }
0x45: {  	v1 =	vmul.f32 $5.656854150e+00, v1  }
0x46: {  	s23 =	sadd.s32 $0x40, s23;
	[tilespmem:s21+$0xFFFFFFE0] =	vst v3;
	v2 =	vmul.f32 $5.656854150e+00, v2  }
0x47: {  	s22 =	sshll.u32 s20, $0xF  }
0x48: {  	v0 =	vmul.f32 $5.656854150e+00, v0;
	[tilespmem:s21+$0x0] =	vst v1;
	s20 =	sadd.s32 $0x1, s20;
	s22 =	sadd.s32 s6, s22  }
0x49: {  	[tilespmem:s21+$0x10] =	vst v2;
	p0 =	sne.s32 s20, $0xD;
	s22 =	sshrl.u32 s22, $0x3  }
.Ltmp1:
0x4a: {  	[tilespmem:s21+$0xFFFFFFF0] =	vst v0;
	s31 =	sadd.s32 s2, s22;
	(pc) =	sbr.rel @p0 .LBB2_2-.Ltmp1, $4  }
0x4b: {  	[hbm4b:s31+s3] =	stream.linear.scatter [tilespmem:s10], [sflag:$0x2], $0x8000, $0x38;
	[tilespmem:$0xB400] =	vst v63  }
0x4c: {  	_ =	swait.ge [sflag:s8], $0x8000  }
0x4d: {  	[sflag:s8] =	ssyncset.done $0x0  }
0x4e: {  	[sflag:s8] =	ssyncadd.s32 $0xFFFF8000  }
0x4f: {  	s19 =	sadd.s32 $0x1, s19  }
0x50: {  	p0 =	sne.s32 s19, s7  }
.Ltmp2:
0x51: {  	_ = 	snop;
	(pc) =	sbr.rel @p0 .LBB2_1-.Ltmp2, $1  }
0x52: {  	_ =	sdelay $0x3  }
0x53: {  	_ =	sfence.sel $0x180000  }
0x54: {  	[bflag:$0x0] =	sbarrier.arrive $0xFFFF  }
0x55: {  	p0 =	sne.s32 s0, $0x0;
	_ =	strace $0x90000047  }
0x56: {  	s0 =	sadd.s32 @!p0 $0x100000, s1;
	[bflag:$0x2] =	sbarrier.arrive $0xFFFF  }
0x57: {  	[sflag:s0] =	ssyncadd.tile.s32 @!p0 $0x1;
	_ =	shalt  }
.Lfunc_end2:
_tile_overlayer_lowered:
.L_overlay_start_2:
0x58: {  	(tag) =	ssettag $0x2  }
0x59: {  	s0 =	rddreg [dreg:$0x0];
	s2 =	stileid.u32  }
0x5a: {  	s1 =	rddreg [dreg:$0x1];
	p0 =	sne.s32 s2, $0x0  }
0x5b: {  	s3 =	rddreg [dreg:$0x2];
	[bflag:$0x3] =	sbarrier.arrive $0xFFFF;
	s2 =	simm.s32 @!p0 $0x1C02  }
0x5c: {  	[timem:s3], [sflag:s2] =	dma.local @!p0 [hbm:s0], s1  }
0x5d: {  	s0 =	simm.s32 @!p0 $0x2  }
0x5e: {  	_ =	swait.ge @!p0 [sflag:s0], s1  }
0x5f: {  	s1 =	ssub.s32 @!p0 $0x0, s1;
	[sflag:s0] =	ssyncset.done @!p0 $0x0  }
0x60: {  	[sflag:s0] =	ssyncadd.s32 @!p0 s1  }
0x61: {  	[bflag:$0x3] =	sbarrier.arrive $0xFFFF  }
0x62: {  	_ =	shalt  }

// kernel: sparse-core-data-format-call.cloned.1.call-start
scs
called_computation_lowered:
.L_overlay_start_0:
0x0: {  	s2 =	sld [smem:$0x3FD9]  }
0x1: {  	s3 =	sld [smem:$0x3FFE];
	_ =	sdelay $0x1  }
0x2: {  	s1 =	srdreg.scid  }
0x3: {  	s0 =	sand.u32 $0x1, s1  }
0x4: {  	s18 =	sshll.u32 s0, $0xA;
	s2 =	sadd.s32 s3, s2  }
0x5: {  	s2 =	sadd.s32 s2, s18  }
0x6: {  	[smem:$0x3FC6] =	sst s2  }
0x7: {  	_ = 	snop  }
0x8: {  	s2 =	sld [smem:$0x3FD0];
	(tm) =	ssettm $0x1  }
0x9: {  	s19 =	sld [smem:$0x3FFB];
	_ =	sdelay $0x3  }
0xa: {  	_ =	strace s19  }
0xb: {  	s3 =	sld [smem:$0x3FFC];
	_ =	sdelay $0x3  }
0xc: {  	_ =	strace s3  }
0xd: {  	s3 =	sld [smem:$0x3FFD];
	_ =	sdelay $0x3  }
0xe: {  	_ =	strace s3  }
0xf: {  	_ =	strace $0x8FFFFFFF  }
0x10: {  	s20 =	sld [smem:$0x3FDB];
	_ =	sdelay $0x1  }
0x11: {  	s4 =	simm.s32 $_scs_section_size  }
0x12: {  	s5 =	simm.s32 $_size__tile_overlayer_lowered;
	s6 =	simm.s32 $_tile_overlayer_lowered  }
0x13: {  	s23 =	simm.s32 $0x1BFF;
	s22 =	sshll.u32 s6, $0x1;
	s3 =	sadd.s32 s4, s20  }
0x14: {  	s7 =	simm.s32 $0x0;
	s21 =	sshll.u32 s5, $0x1;
	s5 =	sadd.s32 s22, s3  }
0x15: {  	[timem:s7], [sflag:s23] =	dma.local [hbm:s5], s21  }
0x16: {  	_ =	swait.ge [sflag:s23], s21  }
0x17: {  	s4 =	ssub.s32 $0x0, s21;
	[sflag:s23] =	ssyncset.done $0x0  }
0x18: {  	[sflag:s23] =	ssyncadd.s32 s4;
	_ =	sdelay $0x1  }
0x19: {  	s24 =	simm.s32 $0x1B8B  }
0x1a: {  	_ =	swait.ge [sflag:s24], $0x1  }
0x1b: {  	[sflag:s24] =	ssyncset.done $0x0  }
0x1c: {  	s26 =	simm.s32 $0x1B8E;
	s25 =	sld [smem:$0x3FFE];
	[sflag:s24] =	ssyncadd.s32 $0xFFFFFFFF  }
0x1d: {  	s27 =	simm.s32 $execute0_lowered;
	[smem:$0x3FD2] =	sst s26  }
0x1e: {  	s5 =	sshll.u32 s27, $0x1;
	_ =	strace $0x80000049;
	[dreg:$0x1] =	wrdreg $0xFFFFFFFF  }
0x1f: {  	s28 =	simm.s32 $_size_execute0_lowered;
	s3 =	sadd.s32 s3, s5;
	[dreg:$0x0] =	wrdreg $0x0  }
0x20: {  	s5 =	sshll.u32 s28, $0x1;
	[dreg:$0x2] =	wrdreg s3  }
0x21: {  	[dreg:$0x3] =	wrdreg s5  }
0x22: {  	[dreg:$0x4] =	wrdreg $0xC0  }
0x23: {  	_ =	task [dreg:s7], $0x5FFFF  }
0x24: {  	[dreg:$0x1] =	wrdreg $0xFFFFFFFF  }
0x25: {  	[dreg:$0x0] =	wrdreg $0x60  }
0x26: {  	[dreg:$0x2] =	wrdreg s25  }
0x27: {  	[dreg:$0x3] =	wrdreg s2  }
0x28: {  	[dreg:$0x4] =	wrdreg $0x9  }
0x29: {  	_ =	task.clear_ibuf [dreg:s7], $0x5FFFF;
	_ =	strace $0x90000049  }
0x2a: {  	s29 =	simm.s32 $0x9;
	_ =	strace $0x8000004B  }
0x2b: {  	_ =	swait.ge [sflag:s29], $0x1  }
0x2c: {  	[sflag:s29] =	ssyncadd.s32 $0xFFFFFFFF  }
0x2d: {  	_ =	strace $0x9000004B  }
0x2e: {  	_ =	sfence  }
0x2f: {  	s30 =	sld [smem:$0x0];
	_ =	sdelay $0x2  }
0x30: {  	s31 =	sshll.u32 s1, $0xD;
	s1 =	sshrl.u32 s1, $0x2  }
0x31: {  	s3 =	sand.u32 $0x4000, s31;
	s1 =	sadd.s32 s1, s30  }
0x32: {  	s0 =	sor.u32 s3, s0;
	s1 =	sshll.u32 s1, $0x11  }
0x33: {  	s0 =	sor.u32 s1, s0  }
0x34: {  	s0 =	sadd.s32 $0x8F2B, s0  }
0x35: {  	[sflag:s0] =	ssyncadd.remote.s32 $0x1  }
0x36: {  	_ =	sfence.sel $0xFFFF  }
0x37: {  	[dreg:$0x0] =	wrdreg $0xFFFFFFFF;
	(pc) =	sbr.abs _section_cstart, $3  }
0x38: {  	[dreg:$0x1] =	wrdreg $0xFFFFFFFF  }
0x39: {  	_ =	task.clear_ibuf [dreg:s7], $0x2FFFF;
	_ =	strace $0x9FFFFFFF  }
0x3a: {  	(tm) =	ssettm $0x7FFFFFFF  }
0x3b: {  	_ =	shalt  }
tec
execute0_lowered:
.L_overlay_start_1:
0x0: {  	(tag) =	ssettag $0x1  }
0x1: {  	s0 =	srdreg.scid  }
0x2: {  	s1 =	sshll.u32 s0, $0x4  }
0x3: {  	s0 =	stileid.u32;
	s1 =	sand.u32 $0x10, s1  }
0x4: {  	s1 =	sor.u32 s0, s1  }
0x5: {  	s6 =	rddreg [dreg:$0x0];
	s4 =	simm.s32 $0x1;
	s2 =	sshll.u32 s1, $0x7  }
0x6: {  	s7 =	simm.s32 $0x2;
	s12 =	simm.s32 $0x0;
	s1 =	ssub.s32 $0x4000, s2  }
0x7: {  	s8 =	simm.s32 $0x20000;
	s13 =	simm.s32 $0x0;
	s3 =	sand.u32 $0xF80, s1  }
0x8: {  	s9 =	simm.s32 $0x0;
	s5 =	sshrl.u32 s1, $0xC;
	p0 =	sne.s32 s3, $0x0  }
.Ltmp0:
0x9: {  	s1 =	rddreg [dreg:$0x2];
	s4 =	simm.s32 @!p0 $0x0;
	(pc) =	sbr.rel .LBB1_1-.Ltmp0, $4  }
0xa: {  	s11 =	simm.s32 $0x0;
	s3 =	rddreg [dreg:$0x1];
	s5 =	sadd.s32 s4, s5  }
0xb: {  	_ =	strace $0x8000004A;
	s4 =	simm.s32 $0x1;
	s5 =	smul.u32 $0x1A, s5  }
0xc: {  	s6 =	sadd.s32 $0xA00, s6;
	s10 =	smov.u32 s2;
	[sflag:s4] =	ssyncpa.u1 $0x0  }
0xd: {  	p0 =	por $0x0, $0x0;
	[sflag:s7] =	ssyncpa.u1 $0x0;
	s7 =	sor.u32 $0x1, s5  }
.LBB1_4:
0xe: {  	s16 =	sshll.u32 s13, $0x3;
	s17 =	sand.u32 $0x78, s13  }
0xf: {  	s30 =	sand.u32 $0xF800, s13;
	s12 =	sshll.u32 s12, $0x10;
	s16 =	sand.u32 $0x3C00, s16  }
0x10: {  	s31 =	sand.u32 $0x7, s13;
	s16 =	sor.u32 s17, s16;
	s17 =	sadd.s32 s3, s30  }
0x11: {  	s13 =	sshll.u32 s31, $0x12;
	s16 =	sshrl.u32 s16, $0x3;
	s12 =	sadd.s32 s12, s17  }
0x12: {  	[tilespmem:s15+$0x0 ss:$0x81] =	vst.msk $0xffff, v0;
	s13 =	sor.u32 $0x400, s13;
	s12 =	sadd.s32 s16, s12  }
0x13: {  	[hbm4b:s12+s13] =	stream.strided.scatter [tilespmem:s14], [sflag:$0x2], $0x1000, s8, s13, $0x20;
	[tilespmem:$0x4040] =	vst v63  }
.LBB1_5:
0x14: {  	s14 =	sadd.s32 $0x1, s9  }
0x15: {  	s12 =	sadd.s32 $0x1000, s10;
	s16 =	smov.u32 s10;
	p2 =	sgt.s32 s14, $0x19  }
0x16: {  	s16 =	smov.u32 @p2 s12  }
0x17: {  	s14 =	simm.s32 @p2 $0x0;
	p2 =	sgt.s32 s16, $0x3FFF  }
0x18: {  	s16 =	smov.u32 @p2 s2;
	p2 =	sne.s32 s11, s7  }
.Ltmp1:
0x19: {  	p1 =	slt.u32 s11, $0x2;
	(pc) =	sbr.rel @!p2 .LBB1_6-.Ltmp1, $4  }
0x1a: {  	s15 =	simm.s32 @!p1 $0x2  }
0x1b: {  	s13 =	smov.u32 s10;
	p0 =	por !p0, !p0;
	_ =	swait.ge @!p1 [sflag:s15], $0x1000  }
0x1c: {  	s12 =	smov.u32 s9;
	[sflag:s15] =	ssyncset.done @!p1 $0x0;
	s9 =	smov.u32 s14  }
0x1d: {  	s11 =	sadd.s32 $0x1, s11;
	[sflag:s15] =	ssyncadd.s32 @!p1 $0xFFFFF000;
	s10 =	smov.u32 s16  }
.LBB1_1:
0x1e: {  	p1 =	sge.u32 s11, s5  }
0x1f: {  	s31 =	sadd.s32 $0xFFFFFFFF, s11;
	s14 =	sxor.u32 @!p1 $0xFFFFFFFF, s11  }
0x20: {  	s15 =	sshll.u32 @!p1 s10, $0x9;
	s16 =	sshll.u32 @!p1 s9, $0x4;
	s17 =	simm.s32 @!p1 $0x1000  }
0x21: {  	s14 =	sshll.u32 @!p1 s14, $0xC;
	s16 =	sand.u32 @!p1 $0x1F0, s16;
	s15 =	sadd.s32 @!p1 s6, s15  }
0x22: {  	s14 =	sand.u32 @!p1 $0x1000, s14;
	s15 =	sadd.s32 @!p1 s16, s15;
	s16 =	simm.s32 @!p1 $0x20  }
0x23: {  	[tilespmem:s14], [sflag:$0x1] =	stream.strided.gather @!p1 [hbm4b:s15+s16], $0x1000, s17, s16, $0x38;
	[tilespmem:$0x4040] =	vst v63  }
0x24: {  	p1 =	sge.u32 s31, s5  }
.Ltmp2:
0x25: {  	_ = 	snop;
	(pc) =	sbr.rel @p1 .LBB1_5-.Ltmp2, $1  }
0x26: {  	_ =	sdelay $0x3  }
0x27: {  	s14 =	simm.s32 $0x1  }
0x28: {  	_ =	swait.ge [sflag:s4], $0x1000;
	s14 =	simm.s32 @!p0 $0x0  }
0x29: {  	[sflag:s4] =	ssyncset.done $0x0;
	s15 =	sshll.u32 s14, $0xC  }
0x2a: {  	[sflag:s4] =	ssyncadd.s32 $0xFFFFF000;
	s18 =	sor.u32 $0x10, s15  }
0x2b: {  	s14 =	smul.u32 $0x4080, s14;
	v1 =	vld [tilespmem:s18+$0x0]  }
0x2c: {  	s30 =	sand.u32 $0x1, s11;
	v0 =	vld [tilespmem:s18+$0xFFFFFFF0]  }
0x2d: {  	s15 =	smul.u32 $0x4080, s30;
	s14 =	sshrl.u32 s14, $0x2  }
0x2e: {  	s16 =	sor.u32 $0x2000, s14  }
0x2f: {  	s31 =	sshrl.u32 s15, $0x2;
	s15 =	sadd.s32 $0x0, s16  }
0x30: {  	s17 =	simm.s32 $0x4;
	s18 =	sadd.s32 $0x20, s18;
	s14 =	sor.u32 $0x2000, s31;
	[tilespmem:s15+$0x810 ss:$0x81] =	vst.msk $0xffff, v1  }
.LBB1_3:
0x31: {  	v1 =	vld [tilespmem:s18+$0x0];
	p1 =	sne.s32 s17, $0x1FC;
	[tilespmem:s15+$0x0 ss:$0x81] =	vst.msk $0xffff, v0;
	s15 =	smov.u32 s17;
	s17 =	sadd.s32 $0x4, s17  }
.Ltmp3:
0x32: {  	v0 =	vld [tilespmem:s18+$0xFFFFFFF0];
	(pc) =	sbr.rel @p1 .LBB1_3-.Ltmp3, $4  }
0x33: {  	_ = 	snop  }
0x34: {  	s15 =	sshra.s32 s15, $0x2  }
0x35: {  	s15 =	sadd.s32 s15, s16  }
0x36: {  	s18 =	sadd.s32 $0x20, s18;
	[tilespmem:s15+$0x810 ss:$0x81] =	vst.msk $0xffff, v1  }
.Ltmp4:
0x37: {  	_ = 	snop;
	(pc) =	sbr.rel .LBB1_4-.Ltmp4, $1  }
0x38: {  	_ =	sdelay $0x3  }
.LBB1_6:
0x39: {  	_ =	sfence.sel $0x180000  }
0x3a: {  	s2 =	simm.s32 $0x1;
	[bflag:$0x0] =	sbarrier.arrive $0xFFFF  }
0x3b: {  	s31 =	simm.s32 $0x2;
	[sflag:s2] =	ssyncpa.u1 $0x1  }
0x3c: {  	[sflag:s31] =	ssyncpa.u1 $0x1  }
0x3d: {  	p0 =	sne.s32 s0, $0x0;
	_ =	strace $0x9000004A  }
0x3e: {  	s0 =	sadd.s32 @!p0 $0x100000, s1;
	[bflag:$0x2] =	sbarrier.arrive $0xFFFF  }
0x3f: {  	[sflag:s0] =	ssyncadd.tile.s32 @!p0 $0x1;
	_ =	shalt  }
.Lfunc_end1:
_tile_overlayer_lowered:
.L_overlay_start_2:
0x40: {  	(tag) =	ssettag $0x2  }
0x41: {  	s0 =	rddreg [dreg:$0x0];
	s2 =	stileid.u32  }
0x42: {  	s1 =	rddreg [dreg:$0x1];
	p0 =	sne.s32 s2, $0x0  }
0x43: {  	s3 =	rddreg [dreg:$0x2];
	[bflag:$0x3] =	sbarrier.arrive $0xFFFF;
	s2 =	simm.s32 @!p0 $0x1C01  }
0x44: {  	[timem:s3], [sflag:s2] =	dma.local @!p0 [hbm:s0], s1  }
0x45: {  	s0 =	simm.s32 @!p0 $0x1  }
0x46: {  	_ =	swait.ge @!p0 [sflag:s0], s1  }
0x47: {  	s1 =	ssub.s32 @!p0 $0x0, s1;
	[sflag:s0] =	ssyncset.done @!p0 $0x0  }
0x48: {  	[sflag:s0] =	ssyncadd.s32 @!p0 s1  }
0x49: {  	[bflag:$0x3] =	sbarrier.arrive $0xFFFF  }
0x4a: {  	_ =	shalt  }

</sc_bundles>
